<compile_context>
chip_gen: v7x
topology: tpu7x:2x2x1
jax: 0.10.2.dev20260603
libtpu: 0.0.44.dev20260713+nightly
codegen_flags: <defaults>
</compile_context>

<pallas_src>
import jax
import jax.numpy as jnp
from jax import lax
from jax.experimental import pallas as pl
from jax.experimental.pallas import tpu as pltpu
from jax.experimental.pallas import tpu_sc as plsc

SHAPE = (4, 224, 224, 96)
N = 19267584
U = 4816896
NCHUNK = 20
ROUNDS = 10
CHUNK = 983040
ACC = CHUNK
NOUT = NCHUNK * CHUNK
PER_CTILE = U // 16
P = 18816
NPIECE = PER_CTILE // P
GROUPS = P // 16
ZB = 2048
ZSHARE = ACC // 16
ZNB = ZSHARE // ZB
DUMP_TW = CHUNK // 16
SENT = -2147483648


def _sc_body(idx_hbm, val_hbm, out_hbm, idx_v, val_v, lidx_v, zero_v, acc):
    c = lax.axis_index("c")
    s = lax.axis_index("s")

    def zinit(i, _):
        zero_v[pl.ds(i * 16, 16)] = jnp.zeros((16,), jnp.float32)
        return 0
    lax.fori_loop(0, ZB // 16, zinit, 0)

    def rnd(r, _):
        q = c * ROUNDS + r
        base = q * CHUNK

        def zblk(i, _):
            pltpu.sync_copy(zero_v, acc.at[pl.ds(s * ZSHARE + i * ZB, ZB)])
            return 0
        lax.fori_loop(0, ZNB, zblk, 0)
        plsc.subcore_barrier()

        def piece(p, _):
            off = s * PER_CTILE + p * P
            pltpu.sync_copy(idx_hbm.at[pl.ds(off, P)], idx_v)
            pltpu.sync_copy(val_hbm.at[pl.ds(off, P)], val_v)

            def grp(i, _):
                iv = idx_v[pl.ds(i * 16, 16)]
                lidx = iv - base
                oob = plsc.bitcast(lidx, jnp.uint32) >= jnp.uint32(CHUNK)
                lidx_v[pl.ds(i * 16, 16)] = jnp.where(oob, jnp.int32(SENT),
                                                      lidx)
                return 0
            lax.fori_loop(0, GROUPS, grp, 0)
            pltpu.sync_copy(
                val_v, acc.at[plsc.Indices(lidx_v, ignored_value=SENT)],
                add=True)
            return 0
        lax.fori_loop(0, NPIECE, piece, 0)
        plsc.subcore_barrier()

        pltpu.sync_copy(acc.at[pl.ds(s * DUMP_TW, DUMP_TW)],
                        out_hbm.at[pl.ds(base + s * DUMP_TW, DUMP_TW)])
        plsc.subcore_barrier()
        return 0
    lax.fori_loop(0, ROUNDS, rnd, 0)


@jax.jit
def _unpool_scatter(idx, val):
    mesh = plsc.VectorSubcoreMesh(core_axis_name="c", subcore_axis_name="s")
    f = pl.kernel(
        _sc_body,
        out_type=jax.ShapeDtypeStruct((NOUT,), jnp.float32),
        mesh=mesh,
        scratch_types=[
            pltpu.VMEM((P,), jnp.int32),
            pltpu.VMEM((P,), jnp.float32),
            pltpu.VMEM((P,), jnp.int32),
            pltpu.VMEM((ZB,), jnp.float32),
            pltpu.VMEM_SHARED((ACC,), jnp.float32),
        ],
    )
    return f(idx, val)


def kernel(inputs, indices, shape_before):
    del shape_before
    idx = indices.reshape(-1)
    val = inputs.reshape(-1)
    out = _unpool_scatter(idx, val)
    return out[:N].reshape(SHAPE)

# --- scband reference (transcript-rebuilt; emitter-appended) ---
"""Pipeline reference for scband-un-pooling-438086664841 (READ-ONLY COPY).

The authoritative reference and input builder live on the scoring server;
editing this copy changes nothing except your own understanding.
"""

import jax, jax.numpy as jnp
import numpy as np

SHAPE_BEFORE = (4, 224, 224, 96)
POOLED_SHAPE = (4, 112, 112, 96)


def setup_inputs(seed: int = 0) -> dict:
    key = jax.random.key(seed)
    k1, k2 = jax.random.split(key)
    size_before = int(np.prod(SHAPE_BEFORE))
    inputs = jax.random.normal(k1, POOLED_SHAPE, dtype=jnp.float32)
    indices = jax.random.randint(k2, POOLED_SHAPE, 0, size_before, dtype=jnp.int32)
    shape_before = jnp.array(SHAPE_BEFORE, dtype=jnp.int32)
    return {"inputs": inputs, "indices": indices, "shape_before": shape_before}


def reference(inputs, indices, shape_before):
    # Faithful translation of tf.scatter_nd-based UnPooling.
    # tf.scatter_nd accumulates (adds) duplicate indices, so we use .at[].add
    updates = jnp.reshape(inputs, (-1,))
    idx = jnp.reshape(indices, (-1,))
    sb = SHAPE_BEFORE
    size_before = int(np.prod(sb))
    idx = idx % jnp.prod(shape_before)
    outputs = jnp.zeros((size_before,), dtype=inputs.dtype).at[idx].add(updates)
    outputs = jnp.reshape(outputs, sb)
    return outputs

if __name__ == "__main__":
    import jax
    _d = setup_inputs()
    print(jax.jit(kernel)(*tuple(_d.values())))

</pallas_src>

<mosaic_0001>
#map = affine_map<(d0, d1) -> (0)>
module attributes {stable_mosaic.version = 14 : i64} {
  func.func @_sc_body(%arg0: i32, %arg1: i32, %arg2: memref<4816896xi32, #tpu.memory_space<hbm>>, %arg3: memref<4816896xf32, #tpu.memory_space<hbm>>, %arg4: memref<19660800xf32, #tpu.memory_space<hbm>>, %arg5: memref<18816xi32, #tpu.memory_space<vmem>>, %arg6: memref<18816xf32, #tpu.memory_space<vmem>>, %arg7: memref<18816xi32, #tpu.memory_space<vmem>>, %arg8: memref<2048xf32, #tpu.memory_space<vmem>>, %arg9: memref<983040xf32, #tpu.memory_space<vmem_shared>>) attributes {dimension_semantics = [#tpu.dimension_semantics<core_parallel>, #tpu.dimension_semantics<subcore_parallel>], iteration_bounds = array<i64: 2, 16>, scalar_prefetch = 0 : i64, scratch_operands = 5 : i64, tpu.core_type = #tpu.core_type<sc_vector_subcore>, window_params = [{transform_indices = #map}, {transform_indices = #map}, {transform_indices = #map}]} {
    %scan3A = arith.constant 0 : i32
    %scan3A_0 = arith.constant 0 : i32
    %scan3A_1 = arith.constant 128 : i32
    %scan3A_2 = arith.addi %scan3A_0, %scan3A_1 : i32
    %scan3A_3 = arith.constant 1 : i32
    %scan3A_4 = scf.for %scan3A_13 = %scan3A_0 to %scan3A_2 step %scan3A_3 iter_args(%scan3A_14 = %scan3A) -> (i32)  : i32 {
      %broadcast_in_dim3A = arith.constant 0.000000e+00 : f32
      %broadcast_in_dim3A_15 = vector.broadcast %broadcast_in_dim3A : f32 to vector<16xf32>
      %mul3A = arith.constant 16 : i32
      %mul3A_16 = arith.muli %scan3A_13, %mul3A : i32
      %swap3A = arith.index_cast %mul3A_16 : i32 to index
      %swap3A_17 = tpu.vector_load %arg8[%swap3A] {strides = array<i32>} : memref<2048xf32, #tpu.memory_space<vmem>>, vector<16xf32>,
      %swap3A_18 = vector.shape_cast %swap3A_17 : vector<16xf32> to vector<16xf32>
      %swap3A_19 = vector.shape_cast %broadcast_in_dim3A_15 : vector<16xf32> to vector<16xf32>
      tpu.vector_store %arg8[%swap3A], %swap3A_19 {strides = array<i32>} : memref<2048xf32, #tpu.memory_space<vmem>>, vector<16xf32>,
      %scan3A_20 = arith.constant 0 : i32
      scf.yield %scan3A_20 : i32
    }
    %scan3A_5 = arith.constant 128 : i32
    %scan3A_6 = arith.constant 0 : i32
    %scan3A_7 = arith.constant 0 : i32
    %scan3A_8 = arith.constant 10 : i32
    %scan3A_9 = arith.addi %scan3A_7, %scan3A_8 : i32
    %scan3A_10 = arith.constant 1 : i32
    %scan3A_11 = scf.for %scan3A_13 = %scan3A_7 to %scan3A_9 step %scan3A_10 iter_args(%scan3A_14 = %scan3A_6) -> (i32)  : i32 {
      %mul3A = arith.constant 10 : i32
      %mul3A_15 = arith.muli %arg0, %mul3A : i32
      %add3A = arith.addi %mul3A_15, %scan3A_13 : i32
      %mul3A_16 = arith.constant 983040 : i32
      %mul3A_17 = arith.muli %add3A, %mul3A_16 : i32
      %scan3A_18 = arith.constant 0 : i32
      %scan3A_19 = arith.constant 0 : i32
      %scan3A_20 = arith.constant 30 : i32
      %scan3A_21 = arith.addi %scan3A_19, %scan3A_20 : i32
      %scan3A_22 = arith.constant 1 : i32
      %scan3A_23 = scf.for %scan3A_40 = %scan3A_19 to %scan3A_21 step %scan3A_22 iter_args(%scan3A_41 = %scan3A_18) -> (i32)  : i32 {
        %mul3A_42 = arith.constant 61440 : i32
        %mul3A_43 = arith.muli %arg1, %mul3A_42 : i32
        %mul3A_44 = arith.constant 2048 : i32
        %mul3A_45 = arith.muli %scan3A_40, %mul3A_44 : i32
        %add3A_46 = arith.addi %mul3A_43, %mul3A_45 : i32
        "tpu.region"() ({
          %run_scoped3A = tpu.sem_alloc : memref<!tpu.dma_semaphore, #tpu.memory_space<semaphore_mem>>
          %dma_start3A = tpu.memref_slice %arg9[%add3A_46] : memref<983040xf32, #tpu.memory_space<vmem_shared>> -> memref<2048xf32, #tpu.memory_space<vmem_shared>>
          %dma_start3A_48 = tpu.memref_slice %arg9[%add3A_46] : memref<983040xf32, #tpu.memory_space<vmem_shared>> -> memref<2048xf32, #tpu.memory_space<vmem_shared>>
          tpu.enqueue_dma source(%arg8 : memref<2048xf32, #tpu.memory_space<vmem>>) target(%dma_start3A_48 : memref<2048xf32, #tpu.memory_space<vmem_shared>>) target_semaphore(%run_scoped3A : memref<!tpu.dma_semaphore, #tpu.memory_space<semaphore_mem>>)
          %dma_wait3A = tpu.memref_slice %arg9[%add3A_46] : memref<983040xf32, #tpu.memory_space<vmem_shared>> -> memref<2048xf32, #tpu.memory_space<vmem_shared>>
          %dma_wait3A_49 = tpu.memref_slice %arg9[%add3A_46] : memref<983040xf32, #tpu.memory_space<vmem_shared>> -> memref<2048xf32, #tpu.memory_space<vmem_shared>>
          tpu.wait_dma2 semaphore(%run_scoped3A : memref<!tpu.dma_semaphore, #tpu.memory_space<semaphore_mem>>) src(%arg8 : memref<2048xf32, #tpu.memory_space<vmem>>) dst(%dma_wait3A_49 : memref<2048xf32, #tpu.memory_space<vmem_shared>>)
          tpu.yield
        }) : () -> ()
        %scan3A_47 = arith.constant 0 : i32
        scf.yield %scan3A_47 : i32
      }
      %scan3A_24 = arith.constant 30 : i32
      %barrier3A = arith.constant 0 : index
      tpu.barrier barrier_id(%barrier3A)
      %scan3A_25 = arith.constant 0 : i32
      %scan3A_26 = arith.constant 0 : i32
      %scan3A_27 = arith.constant 16 : i32
      %scan3A_28 = arith.addi %scan3A_26, %scan3A_27 : i32
      %scan3A_29 = arith.constant 1 : i32
      %scan3A_30 = scf.for %scan3A_40 = %scan3A_26 to %scan3A_28 step %scan3A_29 iter_args(%scan3A_41 = %scan3A_25) -> (i32)  : i32 {
        %mul3A_42 = arith.constant 301056 : i32
        %mul3A_43 = arith.muli %arg1, %mul3A_42 : i32
        %mul3A_44 = arith.constant 18816 : i32
        %mul3A_45 = arith.muli %scan3A_40, %mul3A_44 : i32
        %add3A_46 = arith.addi %mul3A_43, %mul3A_45 : i32
        "tpu.region"() ({
          %run_scoped3A = tpu.sem_alloc : memref<!tpu.dma_semaphore, #tpu.memory_space<semaphore_mem>>
          %dma_start3A = tpu.memref_slice %arg2[%add3A_46] : memref<4816896xi32, #tpu.memory_space<hbm>> -> memref<18816xi32, #tpu.memory_space<hbm>>
          %dma_start3A_55 = tpu.memref_slice %arg2[%add3A_46] : memref<4816896xi32, #tpu.memory_space<hbm>> -> memref<18816xi32, #tpu.memory_space<hbm>>
          tpu.enqueue_dma source(%dma_start3A_55 : memref<18816xi32, #tpu.memory_space<hbm>>) target(%arg5 : memref<18816xi32, #tpu.memory_space<vmem>>) target_semaphore(%run_scoped3A : memref<!tpu.dma_semaphore, #tpu.memory_space<semaphore_mem>>)
          %dma_wait3A = tpu.memref_slice %arg2[%add3A_46] : memref<4816896xi32, #tpu.memory_space<hbm>> -> memref<18816xi32, #tpu.memory_space<hbm>>
          %dma_wait3A_56 = tpu.memref_slice %arg2[%add3A_46] : memref<4816896xi32, #tpu.memory_space<hbm>> -> memref<18816xi32, #tpu.memory_space<hbm>>
          tpu.wait_dma2 semaphore(%run_scoped3A : memref<!tpu.dma_semaphore, #tpu.memory_space<semaphore_mem>>) src(%dma_wait3A_56 : memref<18816xi32, #tpu.memory_space<hbm>>) dst(%arg5 : memref<18816xi32, #tpu.memory_space<vmem>>)
          tpu.yield
        }) : () -> ()
        "tpu.region"() ({
          %run_scoped3A = tpu.sem_alloc : memref<!tpu.dma_semaphore, #tpu.memory_space<semaphore_mem>>
          %dma_start3A = tpu.memref_slice %arg3[%add3A_46] : memref<4816896xf32, #tpu.memory_space<hbm>> -> memref<18816xf32, #tpu.memory_space<hbm>>
          %dma_start3A_55 = tpu.memref_slice %arg3[%add3A_46] : memref<4816896xf32, #tpu.memory_space<hbm>> -> memref<18816xf32, #tpu.memory_space<hbm>>
          tpu.enqueue_dma source(%dma_start3A_55 : memref<18816xf32, #tpu.memory_space<hbm>>) target(%arg6 : memref<18816xf32, #tpu.memory_space<vmem>>) target_semaphore(%run_scoped3A : memref<!tpu.dma_semaphore, #tpu.memory_space<semaphore_mem>>)
          %dma_wait3A = tpu.memref_slice %arg3[%add3A_46] : memref<4816896xf32, #tpu.memory_space<hbm>> -> memref<18816xf32, #tpu.memory_space<hbm>>
          %dma_wait3A_56 = tpu.memref_slice %arg3[%add3A_46] : memref<4816896xf32, #tpu.memory_space<hbm>> -> memref<18816xf32, #tpu.memory_space<hbm>>
          tpu.wait_dma2 semaphore(%run_scoped3A : memref<!tpu.dma_semaphore, #tpu.memory_space<semaphore_mem>>) src(%dma_wait3A_56 : memref<18816xf32, #tpu.memory_space<hbm>>) dst(%arg6 : memref<18816xf32, #tpu.memory_space<vmem>>)
          tpu.yield
        }) : () -> ()
        %scan3A_47 = arith.constant 0 : i32
        %scan3A_48 = arith.constant 0 : i32
        %scan3A_49 = arith.constant 1176 : i32
        %scan3A_50 = arith.addi %scan3A_48, %scan3A_49 : i32
        %scan3A_51 = arith.constant 1 : i32
        %scan3A_52 = scf.for %scan3A_55 = %scan3A_48 to %scan3A_50 step %scan3A_51 iter_args(%scan3A_56 = %scan3A_47) -> (i32)  : i32 {
          %mul3A_57 = arith.constant 16 : i32
          %mul3A_58 = arith.muli %scan3A_55, %mul3A_57 : i32
          %get3A = arith.index_cast %mul3A_58 : i32 to index
          %get3A_59 = tpu.vector_load %arg5[%get3A] {strides = array<i32>} : memref<18816xi32, #tpu.memory_space<vmem>>, vector<16xi32>,
          %get3A_60 = vector.shape_cast %get3A_59 : vector<16xi32> to vector<16xi32>
          %sub3A = vector.broadcast %mul3A_17 : i32 to vector<16xi32>
          %sub3A_61 = arith.subi %get3A_60, %sub3A : vector<16xi32>
          %bitcast3A = vector.bitcast %sub3A_61 : vector<16xi32> to vector<16xi32>
          %ge3A = arith.constant 983040 : i32
          %ge3A_62 = vector.broadcast %ge3A : i32 to vector<16xi32>
          %ge3A_63 = arith.cmpi uge, %bitcast3A, %ge3A_62 : vector<16xi32>
          %jit3A = arith.constant -2147483648 : i32
          %broadcast_in_dim3A = vector.broadcast %jit3A : i32 to vector<16xi32>
          %select_n3A = arith.select %ge3A_63, %broadcast_in_dim3A, %sub3A_61 : vector<16xi1>, vector<16xi32>
          %mul3A_64 = arith.constant 16 : i32
          %mul3A_65 = arith.muli %scan3A_55, %mul3A_64 : i32
          %swap3A = arith.index_cast %mul3A_65 : i32 to index
          %swap3A_66 = tpu.vector_load %arg7[%swap3A] {strides = array<i32>} : memref<18816xi32, #tpu.memory_space<vmem>>, vector<16xi32>,
          %swap3A_67 = vector.shape_cast %swap3A_66 : vector<16xi32> to vector<16xi32>
          %swap3A_68 = vector.shape_cast %select_n3A : vector<16xi32> to vector<16xi32>
          tpu.vector_store %arg7[%swap3A], %swap3A_68 {strides = array<i32>} : memref<18816xi32, #tpu.memory_space<vmem>>, vector<16xi32>,
          %scan3A_69 = arith.constant 0 : i32
          scf.yield %scan3A_69 : i32
        }
        %scan3A_53 = arith.constant 1176 : i32
        "tpu.region"() ({
          %run_scoped3A = tpu.sem_alloc : memref<!tpu.dma_semaphore, #tpu.memory_space<semaphore_mem>>
          %dma_start3A = arith.constant 0 : i32
          %dma_start3A_55 = tpu.memref_slice %arg9[%dma_start3A] : memref<983040xf32, #tpu.memory_space<vmem_shared>> -> memref<983040xf32, #tpu.memory_space<vmem_shared>>
          %dma_start3A_56 = arith.constant -2147483648 : i32
          tpu.enqueue_indirect_dma source(%arg6 : memref<18816xf32, #tpu.memory_space<vmem>>) target(%dma_start3A_55 : memref<983040xf32, #tpu.memory_space<vmem_shared>>) offsets(%arg7 : memref<18816xi32, #tpu.memory_space<vmem>>) offset_filter(%dma_start3A_56) semaphore(%run_scoped3A : memref<!tpu.dma_semaphore, #tpu.memory_space<semaphore_mem>>) {add = true}
          %dma_wait3A = arith.constant 0 : i32
          %dma_wait3A_57 = tpu.memref_slice %arg9[%dma_wait3A] : memref<983040xf32, #tpu.memory_space<vmem_shared>> -> memref<983040xf32, #tpu.memory_space<vmem_shared>>
          tpu.wait_indirect_dma semaphore(%run_scoped3A : memref<!tpu.dma_semaphore, #tpu.memory_space<semaphore_mem>>) src(%arg6 : memref<18816xf32, #tpu.memory_space<vmem>>) dst(%dma_wait3A_57 : memref<983040xf32, #tpu.memory_space<vmem_shared>>)
          tpu.yield
        }) : () -> ()
        %scan3A_54 = arith.constant 0 : i32
        scf.yield %scan3A_54 : i32
      }
      %scan3A_31 = arith.constant 16 : i32
      %barrier3A_32 = arith.constant 0 : index
      tpu.barrier barrier_id(%barrier3A_32)
      %mul3A_33 = arith.constant 61440 : i32
      %mul3A_34 = arith.muli %arg1, %mul3A_33 : i32
      %mul3A_35 = arith.constant 61440 : i32
      %mul3A_36 = arith.muli %arg1, %mul3A_35 : i32
      %add3A_37 = arith.addi %mul3A_17, %mul3A_36 : i32
      "tpu.region"() ({
        %run_scoped3A = tpu.sem_alloc : memref<!tpu.dma_semaphore, #tpu.memory_space<semaphore_mem>>
        %dma_start3A = tpu.memref_slice %arg4[%add3A_37] : memref<19660800xf32, #tpu.memory_space<hbm>> -> memref<61440xf32, #tpu.memory_space<hbm>>
        %dma_start3A_40 = tpu.memref_slice %arg9[%mul3A_34] : memref<983040xf32, #tpu.memory_space<vmem_shared>> -> memref<61440xf32, #tpu.memory_space<vmem_shared>>
        tpu.enqueue_dma source(%dma_start3A_40 : memref<61440xf32, #tpu.memory_space<vmem_shared>>) target(%dma_start3A : memref<61440xf32, #tpu.memory_space<hbm>>) target_semaphore(%run_scoped3A : memref<!tpu.dma_semaphore, #tpu.memory_space<semaphore_mem>>)
        %dma_wait3A = tpu.memref_slice %arg4[%add3A_37] : memref<19660800xf32, #tpu.memory_space<hbm>> -> memref<61440xf32, #tpu.memory_space<hbm>>
        %dma_wait3A_41 = tpu.memref_slice %arg9[%mul3A_34] : memref<983040xf32, #tpu.memory_space<vmem_shared>> -> memref<61440xf32, #tpu.memory_space<vmem_shared>>
        tpu.wait_dma2 semaphore(%run_scoped3A : memref<!tpu.dma_semaphore, #tpu.memory_space<semaphore_mem>>) src(%dma_wait3A_41 : memref<61440xf32, #tpu.memory_space<vmem_shared>>) dst(%dma_wait3A : memref<61440xf32, #tpu.memory_space<hbm>>)
        tpu.yield
      }) : () -> ()
      %barrier3A_38 = arith.constant 0 : index
      tpu.barrier barrier_id(%barrier3A_38)
      %scan3A_39 = arith.constant 0 : i32
      scf.yield %scan3A_39 : i32
    }
    %scan3A_12 = arith.constant 10 : i32
    return
  }
}

</mosaic_0001>

<sc_bundles>
// kernel: _unpool_scatter.3.cloned.1.call-start
scs
__scs_entry_jumppad:
0x0: {  	(pc) =	sbr.rel $0x88, $3  }
0x1: {  	(tag) =	ssettag $0x0;
	lr =	simm.s32 $0x1  }
0x2: {  	[smem:$0x3F9F] =	sst lr;
	_ =	strace $0xD0000000  }
0x3: {  	_ = 	snop  }
0x4: {  	_ = 	snop  }
0x5: {  	_ = 	snop  }
0x6: {  	_ = 	snop  }
0x7: {  	_ = 	snop  }
__scs_overlays_trampoline_lowered:
0x8: {  	[smem:$0x3FAE] =	sst s0  }
0x9: {  	[smem:$0x3FAF] =	sst s1  }
0xa: {  	[smem:$0x3FB0] =	sst s2  }
0xb: {  	[smem:$0x3FB1] =	sst s3  }
0xc: {  	[smem:$0x3FB2] =	sst s4  }
0xd: {  	[smem:$0x3FB3] =	sst s5  }
0xe: {  	[smem:$0x3FB4] =	sst s6  }
0xf: {  	[smem:$0x3FB5] =	sst s7  }
0x10: {  	[smem:$0x3FB6] =	sst s8  }
0x11: {  	[smem:$0x3FB7] =	sst s9;
	s0 =	simm.s32 @!p0 $0x0  }
0x12: {  	s1 =	sld [smem:$0x3F9D];
	s0 =	simm.s32 @p0 $0x1  }
0x13: {  	[smem:$0x3FB8] =	sst s0;
	s0 =	simm.s32 @!p1 $0x0  }
0x14: {  	s2 =	sld [smem:$0x3F9C];
	s0 =	simm.s32 @p1 $0x1  }
0x15: {  	[smem:$0x3FB9] =	sst s0;
	s0 =	simm.s32 @!p2 $0x0  }
0x16: {  	s3 =	sld [smem:$0x3FDB];
	s0 =	simm.s32 @p2 $0x1  }
0x17: {  	s4 =	simm.s32 $0x1BF5;
	[smem:$0x3FBB] =	sst s0  }
0x18: {  	s0 =	sld [smem:$0x3F9E];
	_ =	swait.ge [sflag:s4], $0x0  }
0x19: {  	s7 =	sld [smem:$0x3F9F]  }
0x1a: {  	s8 =	sadd.s32 $0xFFFFE003, lr  }
0x1b: {  	s9 =	sadd.s32 $0xFFFFFEF7, lr;
	s5 =	simm.s32 $0xFFFFFFFF;
	p2 =	slt.u32 s8, $0xFFFFF086  }
0x1c: {  	p1 =	slt.u32 s9, $0xF7A;
	s5 =	simm.s32 @!p2 $0x0  }
0x1d: {  	s5 =	simm.s32 @p1 $0x1;
	p0 =	seq.s32 s7, s2  }
0x1e: {  	s7 =	smul.u32 @!p0 $0xF7A, s2;
	p2 =	seq.s32 @!p0 s5, $0x0  }
0x1f: {  	s9 =	smul.u32 $0xF7A, s1;
	s8 =	simm.s32 @!p0 $0x1BF5;
	p2 =	por !p2, p0  }
0x20: {  	[sflag:s8] =	ssyncset.s32 @!p0 $0xFFFFF086;
	s6 =	sadd.s32 @!p0 s3, s7;
	s7 =	simm.s32 @!p0 $0x108  }
0x21: {  	s3 =	sadd.s32 s3, s9;
	s6 =	sadd.s32 @!p0 $0x88, s6;
	s7 =	simm.s32 @p2 $0x1082  }
0x22: {  	[simem:s7], [sflag:s8] =	dma.local @!p0 [hbm:s6], $0xF7A  }
0x23: {  	s9 =	sor.u32 $0xD0000000, s2;
	s6 =	simm.s32 $0x108;
	_ =	swait.ge @!p0 [sflag:s8], $0x0  }
0x24: {  	s3 =	sadd.s32 $0x88, s3;
	s6 =	simm.s32 @!p1 $0x1082;
	[sflag:s4] =	ssyncset.s32 $0xFFFFF086  }
0x25: {  	[simem:s6], [sflag:s4] =	dma.local [hbm:s3], $0xF7A  }
0x26: {  	[smem:$0x3F9F] =	sst s1;
	(tag) =	ssettag s2;
	_ =	strace s9  }
0x27: {  	s1 =	sld [smem:$0x3FAF]  }
0x28: {  	s2 =	sld [smem:$0x3FB0]  }
0x29: {  	s4 =	sld [smem:$0x3FB2]  }
0x2a: {  	p0 =	seq.s32 s5, $0x0;
	s5 =	sld [smem:$0x3FB3]  }
0x2b: {  	s6 =	sld [smem:$0x3FB4]  }
0x2c: {  	s7 =	sld [smem:$0x3FB5]  }
0x2d: {  	s3 =	simm.s32 $0x108;
	s8 =	sld [smem:$0x3FB6]  }
0x2e: {  	s3 =	simm.s32 @!p0 $0x1082;
	s9 =	sld [smem:$0x3FB7]  }
0x2f: {  	lr =	sadd.s32 s0, s3;
	s0 =	sld [smem:$0x3FAE]  }
0x30: {  	s3 =	sld [smem:$0x3FB1]  }
0x31: {  	[smem:$0x3FBA] =	sst s10  }
0x32: {  	s10 =	sld [smem:$0x3FB8];
	_ =	sdelay $0x3  }
0x33: {  	p0 =	seq.s32 s10, $0x1;
	s10 =	sld [smem:$0x3FBA];
	_ =	sdelay $0x3  }
0x34: {  	[smem:$0x3FBA] =	sst s10  }
0x35: {  	s10 =	sld [smem:$0x3FB9];
	_ =	sdelay $0x3  }
0x36: {  	p1 =	seq.s32 s10, $0x1;
	s10 =	sld [smem:$0x3FBA];
	_ =	sdelay $0x3  }
0x37: {  	[smem:$0x3FBA] =	sst s10  }
0x38: {  	s10 =	sld [smem:$0x3FBB]  }
0x39: {  	_ = 	snop;
	(pc) =	sbr.ind lr, $3  }
0x3a: {  	_ = 	snop  }
0x3b: {  	_ = 	snop  }
0x3c: {  	p2 =	seq.s32 s10, $0x1;
	s10 =	sld [smem:$0x3FBA]  }
0x3d: {  	_ =	shalt  }
0x3e: {  	_ =	shalt  }
0x3f: {  	_ =	shalt  }
0x40: {  	_ =	shalt  }
0x41: {  	_ =	shalt  }
0x42: {  	_ =	shalt  }
0x43: {  	_ =	shalt  }
0x44: {  	_ =	shalt  }
0x45: {  	_ =	shalt  }
0x46: {  	_ =	shalt  }
0x47: {  	_ =	shalt  }
0x48: {  	_ =	shalt  }
0x49: {  	_ =	shalt  }
0x4a: {  	_ =	shalt  }
0x4b: {  	_ =	shalt  }
0x4c: {  	_ =	shalt  }
0x4d: {  	_ =	shalt  }
0x4e: {  	_ =	shalt  }
0x4f: {  	_ =	shalt  }
0x50: {  	_ =	shalt  }
0x51: {  	_ =	shalt  }
0x52: {  	_ =	shalt  }
0x53: {  	_ =	shalt  }
0x54: {  	_ =	shalt  }
0x55: {  	_ =	shalt  }
0x56: {  	_ =	shalt  }
0x57: {  	_ =	shalt  }
0x58: {  	_ =	shalt  }
0x59: {  	_ =	shalt  }
0x5a: {  	_ =	shalt  }
0x5b: {  	_ =	shalt  }
0x5c: {  	_ =	shalt  }
0x5d: {  	_ =	shalt  }
0x5e: {  	_ =	shalt  }
0x5f: {  	_ =	shalt  }
0x60: {  	_ =	shalt  }
0x61: {  	_ =	shalt  }
0x62: {  	_ =	shalt  }
0x63: {  	_ =	shalt  }
0x64: {  	_ =	shalt  }
0x65: {  	_ =	shalt  }
0x66: {  	_ =	shalt  }
0x67: {  	_ =	shalt  }
0x68: {  	_ =	shalt  }
0x69: {  	_ =	shalt  }
0x6a: {  	_ =	shalt  }
0x6b: {  	_ =	shalt  }
0x6c: {  	_ =	shalt  }
0x6d: {  	_ =	shalt  }
0x6e: {  	_ =	shalt  }
0x6f: {  	_ =	shalt  }
0x70: {  	_ =	shalt  }
0x71: {  	_ =	shalt  }
0x72: {  	_ =	shalt  }
0x73: {  	_ =	shalt  }
0x74: {  	_ =	shalt  }
0x75: {  	_ =	shalt  }
0x76: {  	_ =	shalt  }
0x77: {  	_ =	shalt  }
0x78: {  	_ =	shalt  }
0x79: {  	_ =	shalt  }
0x7a: {  	_ =	shalt  }
0x7b: {  	_ =	shalt  }
0x7c: {  	_ =	shalt  }
0x7d: {  	_ =	shalt  }
0x7e: {  	_ =	shalt  }
0x7f: {  	_ =	shalt  }
0x80: {  	_ =	shalt  }
0x81: {  	_ =	shalt  }
0x82: {  	_ =	shalt  }
0x83: {  	_ =	shalt  }
0x84: {  	_ =	shalt  }
0x85: {  	_ =	shalt  }
0x86: {  	_ =	shalt  }
0x87: {  	_ =	shalt  }
.Lfunc_end0:
.L_simem_size_0:
called_computation_lowered:
.L_overlay_start_0:
0x88: {  	s2 =	sld [smem:$0x3FD9]  }
0x89: {  	s3 =	sld [smem:$0x3FFE];
	_ =	sdelay $0x1  }
0x8a: {  	s1 =	srdreg.scid  }
0x8b: {  	s0 =	sand.u32 $0x1, s1  }
0x8c: {  	s18 =	sshll.u32 s0, $0xA;
	s2 =	sadd.s32 s3, s2  }
0x8d: {  	s2 =	sadd.s32 s2, s18  }
0x8e: {  	[smem:$0x3FC6] =	sst s2  }
0x8f: {  	_ = 	snop  }
0x90: {  	s2 =	sld [smem:$0x3FC9]  }
0x91: {  	s19 =	sld [smem:$0x3FC8]  }
0x92: {  	s4 =	sld [smem:$0x3FD0];
	(tm) =	ssettm $0x1  }
0x93: {  	s5 =	sld [smem:$0x3FFB];
	_ =	sdelay $0x3  }
0x94: {  	_ =	strace s5  }
0x95: {  	s5 =	sld [smem:$0x3FFC];
	_ =	sdelay $0x3  }
0x96: {  	_ =	strace s5  }
0x97: {  	s5 =	sld [smem:$0x3FFD];
	_ =	sdelay $0x3  }
0x98: {  	_ =	strace s5  }
0x99: {  	_ =	strace $0x8FFFFFFF  }
0x9a: {  	s20 =	sld [smem:$0x3FDB];
	_ =	sdelay $0x1  }
0x9b: {  	s6 =	simm.s32 $_scs_section_size  }
0x9c: {  	s7 =	simm.s32 $_size__tile_overlayer_lowered;
	s8 =	simm.s32 $_tile_overlayer_lowered  }
0x9d: {  	s23 =	simm.s32 $0x1BFF;
	s22 =	sshll.u32 s8, $0x1;
	s5 =	sadd.s32 s6, s20  }
0x9e: {  	s9 =	simm.s32 $0x0;
	s21 =	sshll.u32 s7, $0x1;
	s7 =	sadd.s32 s22, s5  }
0x9f: {  	[timem:s9], [sflag:s23] =	dma.local [hbm:s7], s21  }
0xa0: {  	_ =	swait.ge [sflag:s23], s21  }
0xa1: {  	s6 =	ssub.s32 $0x0, s21;
	[sflag:s23] =	ssyncset.done $0x0  }
0xa2: {  	[sflag:s23] =	ssyncadd.s32 s6;
	_ =	sdelay $0x1  }
0xa3: {  	s24 =	simm.s32 $0x1B8B  }
0xa4: {  	_ =	swait.ge [sflag:s24], $0x1  }
0xa5: {  	[sflag:s24] =	ssyncset.done $0x0  }
0xa6: {  	s25 =	simm.s32 $0x1B8E;
	[sflag:s24] =	ssyncadd.s32 $0xFFFFFFFF  }
0xa7: {  	s26 =	simm.s32 $execute0_lowered;
	[smem:$0x3FD2] =	sst s25  }
0xa8: {  	s6 =	sshll.u32 s26, $0x1;
	_ =	strace $0x80000046;
	[dreg:$0x1] =	wrdreg $0xFFFFFFFF  }
0xa9: {  	s28 =	simm.s32 $_size_execute0_lowered;
	s5 =	sadd.s32 s5, s6;
	[dreg:$0x0] =	wrdreg $0x0  }
0xaa: {  	s6 =	sshll.u32 s28, $0x1;
	[dreg:$0x2] =	wrdreg s5  }
0xab: {  	[dreg:$0x3] =	wrdreg s6  }
0xac: {  	[dreg:$0x4] =	wrdreg $0xC0  }
0xad: {  	_ =	task [dreg:s9], $0x5FFFF  }
0xae: {  	[dreg:$0x1] =	wrdreg $0xFFFFFFFF  }
0xaf: {  	[dreg:$0x0] =	wrdreg $0x60  }
0xb0: {  	[dreg:$0x2] =	wrdreg s2  }
0xb1: {  	[dreg:$0x3] =	wrdreg s19  }
0xb2: {  	[dreg:$0x4] =	wrdreg s4  }
0xb3: {  	[dreg:$0x5] =	wrdreg $0xE4800  }
0xb4: {  	[dreg:$0x6] =	wrdreg $0x9  }
0xb5: {  	_ =	task.clear_ibuf [dreg:s9], $0x7FFFF;
	_ =	strace $0x90000046  }
0xb6: {  	s29 =	simm.s32 $0x9;
	_ =	strace $0x80000048  }
0xb7: {  	_ =	swait.ge [sflag:s29], $0x1  }
0xb8: {  	[sflag:s29] =	ssyncadd.s32 $0xFFFFFFFF  }
0xb9: {  	_ =	strace $0x90000048  }
0xba: {  	_ =	sfence  }
0xbb: {  	s30 =	sld [smem:$0x0];
	_ =	sdelay $0x2  }
0xbc: {  	s31 =	sshll.u32 s1, $0xD;
	s1 =	sshrl.u32 s1, $0x2  }
0xbd: {  	s3 =	sand.u32 $0x4000, s31;
	s1 =	sadd.s32 s1, s30  }
0xbe: {  	s0 =	sor.u32 s3, s0;
	s1 =	sshll.u32 s1, $0x11  }
0xbf: {  	s0 =	sor.u32 s1, s0  }
0xc0: {  	s0 =	sadd.s32 $0x8F2B, s0  }
0xc1: {  	[sflag:s0] =	ssyncadd.remote.s32 $0x1  }
0xc2: {  	_ =	sfence.sel $0xFFFF  }
0xc3: {  	[dreg:$0x0] =	wrdreg $0xFFFFFFFF;
	(pc) =	sbr.abs _section_cstart, $3  }
0xc4: {  	[dreg:$0x1] =	wrdreg $0xFFFFFFFF  }
0xc5: {  	_ =	task.clear_ibuf [dreg:s9], $0x2FFFF;
	_ =	strace $0x9FFFFFFF  }
0xc6: {  	(tm) =	ssettm $0x7FFFFFFF  }
0xc7: {  	_ =	shalt  }
tec
execute0_lowered:
.L_overlay_start_1:
0x0: {  	(tag) =	ssettag $0x1  }
0x1: {  	s1 =	rddreg [dreg:$0x0]  }
0x2: {  	s2 =	rddreg [dreg:$0x1]  }
0x3: {  	s3 =	rddreg [dreg:$0x2]  }
0x4: {  	s5 =	rddreg [dreg:$0x3]  }
0x5: {  	s0 =	rddreg [dreg:$0x4]  }
0x6: {  	s6 =	simm.s32 $0x0;
	s7 =	srdreg.scid;
	s4 =	stileid.u32  }
0x7: {  	s13 =	simm.s32 $0x1;
	s14 =	simm.s32 $0x4980;
	s15 =	simm.s32 $0x9300  }
0x8: {  	[smem:$0x7FF] =	sst s6;
	s7 =	sand.u32 $0x1, s7;
	s8 =	smul.u32 $0x3C000, s4  }
0x9: {  	s16 =	sshll.u32 s4, $0x6;
	_ =	strace $0x80000047;
	s9 =	ssub.s32 $0x2, s7  }
0xa: {  	s10 =	sshrl.u32 s9, $0x1;
	s11 =	sshrl.u32 s8, $0x2;
	s8 =	smul.u32 $0xF000, s4  }
0xb: {  	s7 =	smul.u32 $0xA, s7;
	s16 =	sor.u32 $0x1C01, s16;
	s12 =	ssub.s32 s9, s10  }
0xc: {  	s9 =	sadd.s32 s11, s5;
	s10 =	smul.u32 $0x49800, s4;
	s17 =	sadd.s32 s8, s5  }
0xd: {  	v0 =	vimm.f32 $0.0e+00;
	s11 =	smax.u32 s12, $0x1;
	s12 =	simm.s32 $0xDC80;
	s17 =	sshrl.u32 s17, $0x3  }
.LBB2_1:
0xe: {  	s18 =	simm.s32 $0x40;
	s19 =	simm.s32 $0x0  }
.LBB2_2:
0xf: {  	p0 =	sne.s32 s18, $0x1FC0;
	[tilespmem:s19+$0xDC80] =	vst v0;
	s19 =	smov.u32 s18;
	s18 =	sadd.s32 $0x40, s18  }
.Ltmp0:
0x10: {  	(pc) =	sbr.rel @p0 .LBB2_2-.Ltmp0, $2  }
0x11: {  	_ =	sdelay $0x2  }
0x12: {  	s19 =	sshra.s32 s19, $0x2  }
0x13: {  	[tilespmem:s19+$0xDC80] =	vst v0;
	s18 =	simm.s32 $0x0  }
.LBB2_4:
0x14: {  	s19 =	sadd.s32 $0x0, s9  }
0x15: {  	[spmem:s19] =	stream.linear.scatter [tilespmem:s12], [sflag:$0x1], $0x800, $0x38;
	[tilespmem:$0x1D480] =	vst v63  }
0x16: {  	s19 =	simm.s32 $0x2000;
	_ =	swait.ge [sflag:s13], $0x800  }
.LBB2_5:
0x17: {  	s20 =	sshra.s32 s19, $0x2;
	[sflag:s13] =	ssyncset.done $0x0;
	p0 =	sne.s32 s19, $0x3A000  }
.Ltmp1:
0x18: {  	s20 =	sadd.s32 s20, s9;
	[sflag:s13] =	ssyncadd.s32 $0xFFFFF800;
	(pc) =	sbr.rel @p0 .LBB2_5-.Ltmp1, $3  }
0x19: {  	[spmem:s20] =	stream.linear.scatter [tilespmem:s12], [sflag:$0x1], $0x800, $0x38;
	[tilespmem:$0x1D480] =	vst v63  }
0x1a: {  	s19 =	sadd.s32 $0x2000, s19;
	_ =	sdelay $0x1  }
0x1b: {  	_ =	swait.ge [sflag:s13], $0x800  }
0x1c: {  	s19 =	sadd.s32 s7, s18  }
0x1d: {  	[sflag:s13] =	ssyncset.done $0x0;
	s19 =	smul.u32 $0xF0000, s19  }
0x1e: {  	[sflag:s13] =	ssyncadd.s32 $0xFFFFF800  }
0x1f: {  	s20 =	simm.s32 $0x0;
	s21 =	simm.s32 $0x0;
	[bflag:$0x0] =	sbarrier.arrive $0xFFFF;
	v1 =	vmov s19  }
.LBB2_7:
0x20: {  	s22 =	smul.u32 $0x4980, s21;
	_ =	sdelay $0x1  }
0x21: {  	s22 =	sadd.s32 s10, s22  }
0x22: {  	s22 =	sshrl.u32 s22, $0x3  }
0x23: {  	s23 =	sadd.s32 s1, s22  }
0x24: {  	[tilespmem:s20], [sflag:$0x1] =	stream.linear.gather [hbm4b:s23+s20], $0x4980, $0x38;
	[tilespmem:$0x1D480] =	vst v63  }
0x25: {  	_ =	swait.ge [sflag:s13], $0x4980  }
0x26: {  	[sflag:s13] =	ssyncset.done $0x0  }
0x27: {  	s22 =	sadd.s32 s2, s22;
	[sflag:s13] =	ssyncadd.s32 $0xFFFFB680  }
0x28: {  	[tilespmem:s14], [sflag:$0x1] =	stream.linear.gather [hbm4b:s22+s20], $0x4980, $0x38;
	[tilespmem:$0x1D480] =	vst v63  }
0x29: {  	_ =	swait.ge [sflag:s13], $0x4980  }
0x2a: {  	[sflag:s13] =	ssyncset.done $0x0  }
0x2b: {  	s22 =	simm.s32 $0x0;
	[sflag:s13] =	ssyncadd.s32 $0xFFFFB680  }
0x2c: {  	s23 =	simm.s32 $0x40;
	v2 =	vld [tilespmem:s22+$0x0]  }
.LBB2_8:
0x2d: {  	_ =	sdelay $0x1  }
0x2e: {  	p0 =	sne.s32 s23, $0x125C0  }
.Ltmp2:
0x2f: {  	_ = 	snop;
	(pc) =	sbr.rel @p0 .LBB2_8-.Ltmp2, $4  }
0x30: {  	v3 =	vsub.s32 v2, v1  }
0x31: {  	vm0 =	vgt.u32 v3, $0xEFFFF  }
0x32: {  	s24 =	sshra.s32 s23, $0x2;
	v3 =	vsel vm0, $0x80000000, v3  }
0x33: {  	s23 =	sadd.s32 $0x40, s23;
	v2 =	vld [tilespmem:s24+$0x0];
	[tilespmem:s22+$0x9300] =	vst v3;
	s22 =	smov.u32 s24  }
0x34: {  	_ =	sdelay $0x3  }
0x35: {  	v2 =	vsub.s32 v2, v1  }
0x36: {  	s21 =	sadd.s32 $0x1, s21;
	vm0 =	vgt.u32 v2, $0xEFFFF  }
0x37: {  	p0 =	sne.s32 s21, $0x10;
	v2 =	vsel vm0, $0x80000000, v2  }
.Ltmp3:
0x38: {  	[tilespmem:s22+$0x9300] =	vst v2;
	(ifvalue) =	ssetifvalue $0x80000000;
	(pc) =	sbr.rel @p0 .LBB2_7-.Ltmp3, $4  }
0x39: {  	[spmem:s5] =	stream.indirect.scatter.add.f32 [tilespmem:s14], [sflag:$0x1], $0x1, s15, s14, $0x40b8;
	[tilespmem:$0x1D480] =	vst v63  }
0x3a: {  	_ =	swait.ge [sflag:s13], $0x4980  }
0x3b: {  	[sflag:s13] =	ssyncset.done $0x0  }
0x3c: {  	[sflag:s13] =	ssyncadd.s32 $0xFFFFB680  }
0x3d: {  	s19 =	sadd.s32 s8, s19  }
0x3e: {  	s18 =	sadd.s32 $0x1, s18;
	s19 =	sshrl.u32 s19, $0x3  }
0x3f: {  	[bflag:$0x0] =	sbarrier.arrive $0xFFFF;
	p0 =	sne.s32 s18, $0xA;
	s19 =	sadd.s32 s3, s19  }
0x40: {  	[hbm:s19], [sflag:s16] =	dma.local [spmem:s17], $0x1E00  }
.Ltmp4:
0x41: {  	_ =	swait.ge [sflag:s13], $0x1E00;
	(pc) =	sbr.rel @p0 .LBB2_4-.Ltmp4, $3  }
0x42: {  	[sflag:s13] =	ssyncset.done $0x0  }
0x43: {  	[sflag:s13] =	ssyncadd.s32 $0xFFFFE200  }
0x44: {  	[bflag:$0x0] =	sbarrier.arrive $0xFFFF;
	_ =	sdelay $0x1  }
0x45: {  	s6 =	sadd.s32 $0x1, s6  }
0x46: {  	p0 =	sne.s32 s6, s11  }
.Ltmp5:
0x47: {  	_ = 	snop;
	(pc) =	sbr.rel @p0 .LBB2_1-.Ltmp5, $1  }
0x48: {  	_ =	sdelay $0x3  }
0x49: {  	_ =	sfence.sel $0x180000  }
0x4a: {  	[bflag:$0x0] =	sbarrier.arrive $0xFFFF  }
0x4b: {  	p0 =	sne.s32 s4, $0x0;
	_ =	strace $0x90000047  }
0x4c: {  	s0 =	sadd.s32 @!p0 $0x100000, s0;
	[bflag:$0x2] =	sbarrier.arrive $0xFFFF  }
0x4d: {  	[sflag:s0] =	ssyncadd.tile.s32 @!p0 $0x1;
	_ =	shalt  }
.Lfunc_end2:
_tile_overlayer_lowered:
.L_overlay_start_2:
0x4e: {  	(tag) =	ssettag $0x2  }
0x4f: {  	s0 =	rddreg [dreg:$0x0];
	s2 =	stileid.u32  }
0x50: {  	s1 =	rddreg [dreg:$0x1];
	p0 =	sne.s32 s2, $0x0  }
0x51: {  	s3 =	rddreg [dreg:$0x2];
	[bflag:$0x3] =	sbarrier.arrive $0xFFFF;
	s2 =	simm.s32 @!p0 $0x1C01  }
0x52: {  	[timem:s3], [sflag:s2] =	dma.local @!p0 [hbm:s0], s1  }
0x53: {  	s0 =	simm.s32 @!p0 $0x1  }
0x54: {  	_ =	swait.ge @!p0 [sflag:s0], s1  }
0x55: {  	s1 =	ssub.s32 @!p0 $0x0, s1;
	[sflag:s0] =	ssyncset.done @!p0 $0x0  }
0x56: {  	[sflag:s0] =	ssyncadd.s32 @!p0 s1  }
0x57: {  	[bflag:$0x3] =	sbarrier.arrive $0xFFFF  }
0x58: {  	_ =	shalt  }

</sc_bundles>
